<compile_context>
chip_gen: v7x
topology: tpu7x:2x2x1
jax: 0.10.2.dev20260603
libtpu: 0.0.44.dev20260713+nightly
codegen_flags: <defaults>
</compile_context>

<pallas_src>
import jax
import jax.numpy as jnp
from jax import lax
from jax.experimental import pallas as pl
from jax.experimental.pallas import tpu as pltpu, tpu_sc as plsc

_EMBED_DIM = 64
_LANES = 16
_WIN = 128


def _col_gather_body(tableT_hbm, idx_hbm, out_hbm, idx_v, win_v, out_v):
    cid = lax.axis_index("c")
    sid = lax.axis_index("s")

    @pl.when(jnp.logical_and(cid == 0, sid == 0))
    def _():
        pltpu.sync_copy(idx_hbm, idx_v.at[pl.ds(0, 1)])
        lane = lax.iota(jnp.int32, _LANES)
        v0 = jnp.where(lane == 0, idx_v[...], 0)
        i = lax.reduce_max(v0, axes=(0,))
        base = pl.multiple_of((i // _WIN) * _WIN, _WIN)
        pltpu.sync_copy(tableT_hbm.at[:, pl.ds(base, _WIN)], win_v)
        col = jnp.broadcast_to(i % _WIN, (_LANES,))
        for g in range(_EMBED_DIM // _LANES):
            rows = lax.iota(jnp.int32, _LANES) + g * _LANES
            vals = plsc.load_gather(win_v, [rows, col])
            out_v[pl.ds(g * _LANES, _LANES)] = vals
        pltpu.sync_copy(out_v, out_hbm)


def kernel(table, domain_id):
    idx = jnp.asarray(domain_id, jnp.int32).reshape((1,))
    tableT = table.T
    mesh = plsc.VectorSubcoreMesh(
        core_axis_name="c", subcore_axis_name="s", num_cores=1, num_subcores=1
    )
    gather = pl.kernel(
        _col_gather_body,
        mesh=mesh,
        out_type=jax.ShapeDtypeStruct((_EMBED_DIM,), jnp.float32),
        scratch_types=[
            pltpu.VMEM((_LANES,), jnp.int32),
            pltpu.VMEM((_EMBED_DIM, _WIN), jnp.float32),
            pltpu.VMEM((_EMBED_DIM,), jnp.float32),
        ],
        compiler_params=pltpu.CompilerParams(
            skip_device_barrier=True,
            disable_bounds_checks=True,
            disable_semaphore_checks=True,
            needs_layout_passes=False,
        ),
    )
    return gather(tableT, idx)

# --- scband reference (transcript-rebuilt; emitter-appended) ---
"""Pipeline reference for scband-domain-embeddings-50818053046534 (READ-ONLY COPY).

The authoritative reference and input builder live on the scoring server;
editing this copy changes nothing except your own understanding.
"""

import jax, jax.numpy as jnp
import numpy as np

NUM_DOMAINS = 1000000
EMBED_DIM = 64


def setup_inputs(seed: int = 0) -> dict:
    key = jax.random.key(seed)
    k1 = jax.random.fold_in(key, 1)
    table = jax.random.normal(k1, (NUM_DOMAINS, EMBED_DIM), dtype=jnp.float32) * 0.02
    domain_id = 123456
    return {"table": table, "domain_id": domain_id}


def reference(table, domain_id):
    # Faithful translation of DomainEmbeddings.forward: wrap the python int
    # into a scalar index and perform an embedding-row gather.
    idx = jnp.asarray(domain_id, dtype=jnp.int32)
    return jnp.take(table, idx, axis=0)

if __name__ == "__main__":
    import jax
    _d = setup_inputs()
    print(jax.jit(kernel)(*tuple(_d.values())))

</pallas_src>

<mosaic_0001>
#map = affine_map<(d0, d1) -> (0, 0)>
#map1 = affine_map<(d0, d1) -> (0)>
module attributes {stable_mosaic.version = 14 : i64} {
  func.func @_col_gather_body(%arg0: i32, %arg1: i32, %arg2: memref<64x1000000xf32, #tpu.memory_space<hbm>>, %arg3: memref<1xi32, #tpu.memory_space<hbm>>, %arg4: memref<64xf32, #tpu.memory_space<hbm>>, %arg5: memref<16xi32, #tpu.memory_space<vmem>>, %arg6: memref<64x128xf32, #tpu.memory_space<vmem>>, %arg7: memref<64xf32, #tpu.memory_space<vmem>>) attributes {dimension_semantics = [#tpu.dimension_semantics<core_parallel>, #tpu.dimension_semantics<subcore_parallel>], iteration_bounds = array<i64: 1, 1>, scalar_prefetch = 0 : i64, scratch_operands = 3 : i64, tpu.core_type = #tpu.core_type<sc_vector_subcore>, window_params = [{transform_indices = #map}, {transform_indices = #map1}, {transform_indices = #map1}]} {
    %eq3A = arith.constant 0 : i32
    %eq3A_0 = arith.cmpi eq, %arg0, %eq3A : i32
    %eq3A_1 = arith.constant 0 : i32
    %eq3A_2 = arith.cmpi eq, %arg1, %eq3A_1 : i32
    %and3A = arith.andi %eq3A_0, %eq3A_2 : i1
    %convert_element_type3A = arith.extui %and3A : i1 to i32
    %cond3A = arith.constant 0 : i32
    %cond3A_3 = arith.cmpi ne, %convert_element_type3A, %cond3A : i32
    scf.if %cond3A_3 {
      "tpu.region"() ({
        %run_scoped3A = tpu.sem_alloc : memref<!tpu.dma_semaphore, #tpu.memory_space<semaphore_mem>>
        %dma_start3A = arith.constant 0 : i32
        %dma_start3A_76 = tpu.memref_slice %arg5[%dma_start3A] : memref<16xi32, #tpu.memory_space<vmem>> -> memref<1xi32, #tpu.memory_space<vmem>>
        %dma_start3A_77 = arith.constant 0 : i32
        %dma_start3A_78 = tpu.memref_slice %arg5[%dma_start3A_77] : memref<16xi32, #tpu.memory_space<vmem>> -> memref<1xi32, #tpu.memory_space<vmem>>
        tpu.enqueue_dma source(%arg3 : memref<1xi32, #tpu.memory_space<hbm>>) target(%dma_start3A_78 : memref<1xi32, #tpu.memory_space<vmem>>) target_semaphore(%run_scoped3A : memref<!tpu.dma_semaphore, #tpu.memory_space<semaphore_mem>>)
        %dma_wait3A = arith.constant 0 : i32
        %dma_wait3A_79 = tpu.memref_slice %arg5[%dma_wait3A] : memref<16xi32, #tpu.memory_space<vmem>> -> memref<1xi32, #tpu.memory_space<vmem>>
        %dma_wait3A_80 = arith.constant 0 : i32
        %dma_wait3A_81 = tpu.memref_slice %arg5[%dma_wait3A_80] : memref<16xi32, #tpu.memory_space<vmem>> -> memref<1xi32, #tpu.memory_space<vmem>>
        tpu.wait_dma2 semaphore(%run_scoped3A : memref<!tpu.dma_semaphore, #tpu.memory_space<semaphore_mem>>) src(%arg3 : memref<1xi32, #tpu.memory_space<hbm>>) dst(%dma_wait3A_81 : memref<1xi32, #tpu.memory_space<vmem>>)
        tpu.yield
      }) : () -> ()
      %iota3A = tpu.iota {dimensions = array<i32: 0>} : vector<16xi32>
      %eq3A_4 = arith.constant 0 : i32
      %eq3A_5 = vector.broadcast %eq3A_4 : i32 to vector<16xi32>
      %eq3A_6 = arith.cmpi eq, %iota3A, %eq3A_5 : vector<16xi32>
      %get3A = arith.constant 0 : index
      %get3A_7 = tpu.vector_load %arg5[%get3A] {strides = array<i32>} : memref<16xi32, #tpu.memory_space<vmem>>, vector<16xi32>,
      %jit3A = arith.constant 0 : i32
      %broadcast_in_dim3A = vector.broadcast %jit3A : i32 to vector<16xi32>
      %select_n3A = arith.select %eq3A_6, %get3A_7, %broadcast_in_dim3A : vector<16xi1>, vector<16xi32>
      %reduce_max3A = arith.constant true
      %reduce_max3A_8 = vector.broadcast %reduce_max3A : i1 to vector<16xi1>
      %reduce_max3A_9 = arith.constant -2147483648 : i32
      %reduce_max3A_10 = vector.broadcast %reduce_max3A_9 : i32 to vector<16xi32>
      %reduce_max3A_11 = arith.xori %select_n3A, %reduce_max3A_10 : vector<16xi32>
      %reduce_max3A_12 = tpu.scan <max>, %reduce_max3A_11 masked %reduce_max3A_8 : vector<16xi32>, vector<16xi1> -> vector<16xi32>
      %reduce_max3A_13 = arith.xori %reduce_max3A_12, %reduce_max3A_10 : vector<16xi32>
      %reduce_max3A_14 = vector.extract %reduce_max3A_13[15] : i32 from vector<16xi32>
      %jit3A_15 = arith.constant 128 : i32
      %div3A = arith.divsi %reduce_max3A_14, %jit3A_15 : i32
      %sign3A = arith.constant 0 : i32
      %sign3A_16 = arith.cmpi sgt, %reduce_max3A_14, %sign3A : i32
      %sign3A_17 = arith.extui %sign3A_16 : i1 to i32
      %sign3A_18 = arith.constant 0 : i32
      %sign3A_19 = arith.cmpi slt, %reduce_max3A_14, %sign3A_18 : i32
      %sign3A_20 = arith.extui %sign3A_19 : i1 to i32
      %sign3A_21 = arith.subi %sign3A_17, %sign3A_20 : i32
      %sign3A_22 = arith.constant 0 : i32
      %sign3A_23 = arith.cmpi sgt, %jit3A_15, %sign3A_22 : i32
      %sign3A_24 = arith.extui %sign3A_23 : i1 to i32
      %sign3A_25 = arith.constant 0 : i32
      %sign3A_26 = arith.cmpi slt, %jit3A_15, %sign3A_25 : i32
      %sign3A_27 = arith.extui %sign3A_26 : i1 to i32
      %sign3A_28 = arith.subi %sign3A_24, %sign3A_27 : i32
      %ne3A = arith.cmpi ne, %sign3A_21, %sign3A_28 : i32
      %rem3A = arith.remsi %reduce_max3A_14, %jit3A_15 : i32
      %ne3A_29 = arith.constant 0 : i32
      %ne3A_30 = arith.cmpi ne, %rem3A, %ne3A_29 : i32
      %and3A_31 = arith.andi %ne3A, %ne3A_30 : i1
      %sub3A = arith.constant 1 : i32
      %sub3A_32 = arith.subi %div3A, %sub3A : i32
      %select_n3A_33 = arith.select %and3A_31, %sub3A_32, %div3A : i32
      %mul3A = arith.constant 128 : i32
      %mul3A_34 = arith.muli %select_n3A_33, %mul3A : i32
      %multiple_of3A = tpu.assume_multiple %mul3A_34, 128 : i32
      "tpu.region"() ({
        %run_scoped3A = tpu.sem_alloc : memref<!tpu.dma_semaphore, #tpu.memory_space<semaphore_mem>>
        %dma_start3A = arith.constant 0 : i32
        %dma_start3A_76 = tpu.memref_slice %arg2[%dma_start3A, %multiple_of3A] : memref<64x1000000xf32, #tpu.memory_space<hbm>> -> memref<64x128xf32, #tpu.memory_space<hbm>>
        %dma_start3A_77 = arith.constant 0 : i32
        %dma_start3A_78 = tpu.memref_slice %arg2[%dma_start3A_77, %multiple_of3A] : memref<64x1000000xf32, #tpu.memory_space<hbm>> -> memref<64x128xf32, #tpu.memory_space<hbm>>
        tpu.enqueue_dma source(%dma_start3A_78 : memref<64x128xf32, #tpu.memory_space<hbm>>) target(%arg6 : memref<64x128xf32, #tpu.memory_space<vmem>>) target_semaphore(%run_scoped3A : memref<!tpu.dma_semaphore, #tpu.memory_space<semaphore_mem>>)
        %dma_wait3A = arith.constant 0 : i32
        %dma_wait3A_79 = tpu.memref_slice %arg2[%dma_wait3A, %multiple_of3A] : memref<64x1000000xf32, #tpu.memory_space<hbm>> -> memref<64x128xf32, #tpu.memory_space<hbm>>
        %dma_wait3A_80 = arith.constant 0 : i32
        %dma_wait3A_81 = tpu.memref_slice %arg2[%dma_wait3A_80, %multiple_of3A] : memref<64x1000000xf32, #tpu.memory_space<hbm>> -> memref<64x128xf32, #tpu.memory_space<hbm>>
        tpu.wait_dma2 semaphore(%run_scoped3A : memref<!tpu.dma_semaphore, #tpu.memory_space<semaphore_mem>>) src(%dma_wait3A_81 : memref<64x128xf32, #tpu.memory_space<hbm>>) dst(%arg6 : memref<64x128xf32, #tpu.memory_space<vmem>>)
        tpu.yield
      }) : () -> ()
      %jit3A_35 = arith.constant 128 : i32
      %eq3A_36 = arith.constant 0 : i32
      %eq3A_37 = arith.cmpi eq, %jit3A_35, %eq3A_36 : i32
      %jit3A_38 = arith.constant 1 : i32
      %select_n3A_39 = arith.select %eq3A_37, %jit3A_38, %jit3A_35 : i32
      %rem3A_40 = arith.remsi %reduce_max3A_14, %select_n3A_39 : i32
      %ne3A_41 = arith.constant 0 : i32
      %ne3A_42 = arith.cmpi ne, %rem3A_40, %ne3A_41 : i32
      %lt3A = arith.constant 0 : i32
      %lt3A_43 = arith.cmpi slt, %rem3A_40, %lt3A : i32
      %lt3A_44 = arith.constant 0 : i32
      %lt3A_45 = arith.cmpi slt, %select_n3A_39, %lt3A_44 : i32
      %ne3A_46 = arith.xori %lt3A_43, %lt3A_45 : i1
      %and3A_47 = arith.andi %ne3A_46, %ne3A_42 : i1
      %add3A = arith.addi %rem3A_40, %select_n3A_39 : i32
      %select_n3A_48 = arith.select %and3A_47, %add3A, %rem3A_40 : i32
      %broadcast_in_dim3A_49 = vector.broadcast %select_n3A_48 : i32 to vector<16xi32>
      %iota3A_50 = tpu.iota {dimensions = array<i32: 0>} : vector<16xi32>
      %add3A_51 = arith.constant 0 : i32
      %add3A_52 = vector.broadcast %add3A_51 : i32 to vector<16xi32>
      %add3A_53 = arith.addi %iota3A_50, %add3A_52 : vector<16xi32>
      %gather3A = tpu.vector_load_idx %arg6[%add3A_53, %broadcast_in_dim3A_49] : memref<64x128xf32, #tpu.memory_space<vmem>>[vector<16xi32>, vector<16xi32>], vector<16xf32>,
      %swap3A = arith.constant 0 : index
      %swap3A_54 = tpu.vector_load %arg7[%swap3A] {strides = array<i32>} : memref<64xf32, #tpu.memory_space<vmem>>, vector<16xf32>,
      tpu.vector_store %arg7[%swap3A], %gather3A {strides = array<i32>} : memref<64xf32, #tpu.memory_space<vmem>>, vector<16xf32>,
      %iota3A_55 = tpu.iota {dimensions = array<i32: 0>} : vector<16xi32>
      %add3A_56 = arith.constant 16 : i32
      %add3A_57 = vector.broadcast %add3A_56 : i32 to vector<16xi32>
      %add3A_58 = arith.addi %iota3A_55, %add3A_57 : vector<16xi32>
      %gather3A_59 = tpu.vector_load_idx %arg6[%add3A_58, %broadcast_in_dim3A_49] : memref<64x128xf32, #tpu.memory_space<vmem>>[vector<16xi32>, vector<16xi32>], vector<16xf32>,
      %swap3A_60 = arith.constant 16 : index
      %swap3A_61 = tpu.vector_load %arg7[%swap3A_60] {strides = array<i32>} : memref<64xf32, #tpu.memory_space<vmem>>, vector<16xf32>,
      tpu.vector_store %arg7[%swap3A_60], %gather3A_59 {strides = array<i32>} : memref<64xf32, #tpu.memory_space<vmem>>, vector<16xf32>,
      %iota3A_62 = tpu.iota {dimensions = array<i32: 0>} : vector<16xi32>
      %add3A_63 = arith.constant 32 : i32
      %add3A_64 = vector.broadcast %add3A_63 : i32 to vector<16xi32>
      %add3A_65 = arith.addi %iota3A_62, %add3A_64 : vector<16xi32>
      %gather3A_66 = tpu.vector_load_idx %arg6[%add3A_65, %broadcast_in_dim3A_49] : memref<64x128xf32, #tpu.memory_space<vmem>>[vector<16xi32>, vector<16xi32>], vector<16xf32>,
      %swap3A_67 = arith.constant 32 : index
      %swap3A_68 = tpu.vector_load %arg7[%swap3A_67] {strides = array<i32>} : memref<64xf32, #tpu.memory_space<vmem>>, vector<16xf32>,
      tpu.vector_store %arg7[%swap3A_67], %gather3A_66 {strides = array<i32>} : memref<64xf32, #tpu.memory_space<vmem>>, vector<16xf32>,
      %iota3A_69 = tpu.iota {dimensions = array<i32: 0>} : vector<16xi32>
      %add3A_70 = arith.constant 48 : i32
      %add3A_71 = vector.broadcast %add3A_70 : i32 to vector<16xi32>
      %add3A_72 = arith.addi %iota3A_69, %add3A_71 : vector<16xi32>
      %gather3A_73 = tpu.vector_load_idx %arg6[%add3A_72, %broadcast_in_dim3A_49] : memref<64x128xf32, #tpu.memory_space<vmem>>[vector<16xi32>, vector<16xi32>], vector<16xf32>,
      %swap3A_74 = arith.constant 48 : index
      %swap3A_75 = tpu.vector_load %arg7[%swap3A_74] {strides = array<i32>} : memref<64xf32, #tpu.memory_space<vmem>>, vector<16xf32>,
      tpu.vector_store %arg7[%swap3A_74], %gather3A_73 {strides = array<i32>} : memref<64xf32, #tpu.memory_space<vmem>>, vector<16xf32>,
      "tpu.region"() ({
        %run_scoped3A = tpu.sem_alloc : memref<!tpu.dma_semaphore, #tpu.memory_space<semaphore_mem>>
        tpu.enqueue_dma source(%arg7 : memref<64xf32, #tpu.memory_space<vmem>>) target(%arg4 : memref<64xf32, #tpu.memory_space<hbm>>) target_semaphore(%run_scoped3A : memref<!tpu.dma_semaphore, #tpu.memory_space<semaphore_mem>>)
        tpu.wait_dma2 semaphore(%run_scoped3A : memref<!tpu.dma_semaphore, #tpu.memory_space<semaphore_mem>>) src(%arg7 : memref<64xf32, #tpu.memory_space<vmem>>) dst(%arg4 : memref<64xf32, #tpu.memory_space<hbm>>)
        tpu.yield
      }) : () -> ()
    } else {
    }
    return
  }
}

</mosaic_0001>

<sc_bundles>
// kernel: kernel.3.cloned.1.call-start
scs
__scs_entry_jumppad:
0x0: {  	(pc) =	sbr.rel $0x88, $3  }
0x1: {  	(tag) =	ssettag $0x0;
	lr =	simm.s32 $0x1  }
0x2: {  	[smem:$0x3F9F] =	sst lr;
	_ =	strace $0xD0000000  }
0x3: {  	_ = 	snop  }
0x4: {  	_ = 	snop  }
0x5: {  	_ = 	snop  }
0x6: {  	_ = 	snop  }
0x7: {  	_ = 	snop  }
__scs_overlays_trampoline_lowered:
0x8: {  	[smem:$0x3FAE] =	sst s0  }
0x9: {  	[smem:$0x3FAF] =	sst s1  }
0xa: {  	[smem:$0x3FB0] =	sst s2  }
0xb: {  	[smem:$0x3FB1] =	sst s3  }
0xc: {  	[smem:$0x3FB2] =	sst s4  }
0xd: {  	[smem:$0x3FB3] =	sst s5  }
0xe: {  	[smem:$0x3FB4] =	sst s6  }
0xf: {  	[smem:$0x3FB5] =	sst s7  }
0x10: {  	[smem:$0x3FB6] =	sst s8  }
0x11: {  	[smem:$0x3FB7] =	sst s9;
	s0 =	simm.s32 @!p0 $0x0  }
0x12: {  	s1 =	sld [smem:$0x3F9D];
	s0 =	simm.s32 @p0 $0x1  }
0x13: {  	[smem:$0x3FB8] =	sst s0;
	s0 =	simm.s32 @!p1 $0x0  }
0x14: {  	s2 =	sld [smem:$0x3F9C];
	s0 =	simm.s32 @p1 $0x1  }
0x15: {  	[smem:$0x3FB9] =	sst s0;
	s0 =	simm.s32 @!p2 $0x0  }
0x16: {  	s3 =	sld [smem:$0x3FDB];
	s0 =	simm.s32 @p2 $0x1  }
0x17: {  	s4 =	simm.s32 $0x1BF5;
	[smem:$0x3FBB] =	sst s0  }
0x18: {  	s0 =	sld [smem:$0x3F9E];
	_ =	swait.ge [sflag:s4], $0x0  }
0x19: {  	s7 =	sld [smem:$0x3F9F]  }
0x1a: {  	s8 =	sadd.s32 $0xFFFFE003, lr  }
0x1b: {  	s9 =	sadd.s32 $0xFFFFFEF7, lr;
	s5 =	simm.s32 $0xFFFFFFFF;
	p2 =	slt.u32 s8, $0xFFFFF086  }
0x1c: {  	p1 =	slt.u32 s9, $0xF7A;
	s5 =	simm.s32 @!p2 $0x0  }
0x1d: {  	s5 =	simm.s32 @p1 $0x1;
	p0 =	seq.s32 s7, s2  }
0x1e: {  	s7 =	smul.u32 @!p0 $0xF7A, s2;
	p2 =	seq.s32 @!p0 s5, $0x0  }
0x1f: {  	s9 =	smul.u32 $0xF7A, s1;
	s8 =	simm.s32 @!p0 $0x1BF5;
	p2 =	por !p2, p0  }
0x20: {  	[sflag:s8] =	ssyncset.s32 @!p0 $0xFFFFF086;
	s6 =	sadd.s32 @!p0 s3, s7;
	s7 =	simm.s32 @!p0 $0x108  }
0x21: {  	s3 =	sadd.s32 s3, s9;
	s6 =	sadd.s32 @!p0 $0x88, s6;
	s7 =	simm.s32 @p2 $0x1082  }
0x22: {  	[simem:s7], [sflag:s8] =	dma.local @!p0 [hbm:s6], $0xF7A  }
0x23: {  	s9 =	sor.u32 $0xD0000000, s2;
	s6 =	simm.s32 $0x108;
	_ =	swait.ge @!p0 [sflag:s8], $0x0  }
0x24: {  	s3 =	sadd.s32 $0x88, s3;
	s6 =	simm.s32 @!p1 $0x1082;
	[sflag:s4] =	ssyncset.s32 $0xFFFFF086  }
0x25: {  	[simem:s6], [sflag:s4] =	dma.local [hbm:s3], $0xF7A  }
0x26: {  	[smem:$0x3F9F] =	sst s1;
	(tag) =	ssettag s2;
	_ =	strace s9  }
0x27: {  	s1 =	sld [smem:$0x3FAF]  }
0x28: {  	s2 =	sld [smem:$0x3FB0]  }
0x29: {  	s4 =	sld [smem:$0x3FB2]  }
0x2a: {  	p0 =	seq.s32 s5, $0x0;
	s5 =	sld [smem:$0x3FB3]  }
0x2b: {  	s6 =	sld [smem:$0x3FB4]  }
0x2c: {  	s7 =	sld [smem:$0x3FB5]  }
0x2d: {  	s3 =	simm.s32 $0x108;
	s8 =	sld [smem:$0x3FB6]  }
0x2e: {  	s3 =	simm.s32 @!p0 $0x1082;
	s9 =	sld [smem:$0x3FB7]  }
0x2f: {  	lr =	sadd.s32 s0, s3;
	s0 =	sld [smem:$0x3FAE]  }
0x30: {  	s3 =	sld [smem:$0x3FB1]  }
0x31: {  	[smem:$0x3FBA] =	sst s10  }
0x32: {  	s10 =	sld [smem:$0x3FB8];
	_ =	sdelay $0x3  }
0x33: {  	p0 =	seq.s32 s10, $0x1;
	s10 =	sld [smem:$0x3FBA];
	_ =	sdelay $0x3  }
0x34: {  	[smem:$0x3FBA] =	sst s10  }
0x35: {  	s10 =	sld [smem:$0x3FB9];
	_ =	sdelay $0x3  }
0x36: {  	p1 =	seq.s32 s10, $0x1;
	s10 =	sld [smem:$0x3FBA];
	_ =	sdelay $0x3  }
0x37: {  	[smem:$0x3FBA] =	sst s10  }
0x38: {  	s10 =	sld [smem:$0x3FBB]  }
0x39: {  	_ = 	snop;
	(pc) =	sbr.ind lr, $3  }
0x3a: {  	_ = 	snop  }
0x3b: {  	_ = 	snop  }
0x3c: {  	p2 =	seq.s32 s10, $0x1;
	s10 =	sld [smem:$0x3FBA]  }
0x3d: {  	_ =	shalt  }
0x3e: {  	_ =	shalt  }
0x3f: {  	_ =	shalt  }
0x40: {  	_ =	shalt  }
0x41: {  	_ =	shalt  }
0x42: {  	_ =	shalt  }
0x43: {  	_ =	shalt  }
0x44: {  	_ =	shalt  }
0x45: {  	_ =	shalt  }
0x46: {  	_ =	shalt  }
0x47: {  	_ =	shalt  }
0x48: {  	_ =	shalt  }
0x49: {  	_ =	shalt  }
0x4a: {  	_ =	shalt  }
0x4b: {  	_ =	shalt  }
0x4c: {  	_ =	shalt  }
0x4d: {  	_ =	shalt  }
0x4e: {  	_ =	shalt  }
0x4f: {  	_ =	shalt  }
0x50: {  	_ =	shalt  }
0x51: {  	_ =	shalt  }
0x52: {  	_ =	shalt  }
0x53: {  	_ =	shalt  }
0x54: {  	_ =	shalt  }
0x55: {  	_ =	shalt  }
0x56: {  	_ =	shalt  }
0x57: {  	_ =	shalt  }
0x58: {  	_ =	shalt  }
0x59: {  	_ =	shalt  }
0x5a: {  	_ =	shalt  }
0x5b: {  	_ =	shalt  }
0x5c: {  	_ =	shalt  }
0x5d: {  	_ =	shalt  }
0x5e: {  	_ =	shalt  }
0x5f: {  	_ =	shalt  }
0x60: {  	_ =	shalt  }
0x61: {  	_ =	shalt  }
0x62: {  	_ =	shalt  }
0x63: {  	_ =	shalt  }
0x64: {  	_ =	shalt  }
0x65: {  	_ =	shalt  }
0x66: {  	_ =	shalt  }
0x67: {  	_ =	shalt  }
0x68: {  	_ =	shalt  }
0x69: {  	_ =	shalt  }
0x6a: {  	_ =	shalt  }
0x6b: {  	_ =	shalt  }
0x6c: {  	_ =	shalt  }
0x6d: {  	_ =	shalt  }
0x6e: {  	_ =	shalt  }
0x6f: {  	_ =	shalt  }
0x70: {  	_ =	shalt  }
0x71: {  	_ =	shalt  }
0x72: {  	_ =	shalt  }
0x73: {  	_ =	shalt  }
0x74: {  	_ =	shalt  }
0x75: {  	_ =	shalt  }
0x76: {  	_ =	shalt  }
0x77: {  	_ =	shalt  }
0x78: {  	_ =	shalt  }
0x79: {  	_ =	shalt  }
0x7a: {  	_ =	shalt  }
0x7b: {  	_ =	shalt  }
0x7c: {  	_ =	shalt  }
0x7d: {  	_ =	shalt  }
0x7e: {  	_ =	shalt  }
0x7f: {  	_ =	shalt  }
0x80: {  	_ =	shalt  }
0x81: {  	_ =	shalt  }
0x82: {  	_ =	shalt  }
0x83: {  	_ =	shalt  }
0x84: {  	_ =	shalt  }
0x85: {  	_ =	shalt  }
0x86: {  	_ =	shalt  }
0x87: {  	_ =	shalt  }
.Lfunc_end0:
.L_simem_size_0:
called_computation_lowered:
.L_overlay_start_0:
0x88: {  	s0 =	sld [smem:$0x3FD9]  }
0x89: {  	s1 =	sld [smem:$0x3FFE];
	_ =	sdelay $0x3  }
0x8a: {  	s0 =	sadd.s32 s1, s0  }
0x8b: {  	[smem:$0x3FC6] =	sst s0  }
0x8c: {  	_ = 	snop  }
0x8d: {  	s0 =	sld [smem:$0x3FC9]  }
0x8e: {  	s17 =	sld [smem:$0x3FC8]  }
0x8f: {  	s2 =	sld [smem:$0x3FD0];
	(tm) =	ssettm $0x1  }
0x90: {  	s3 =	sld [smem:$0x3FFB];
	_ =	sdelay $0x3  }
0x91: {  	_ =	strace s3  }
0x92: {  	s3 =	sld [smem:$0x3FFC];
	_ =	sdelay $0x3  }
0x93: {  	_ =	strace s3  }
0x94: {  	s3 =	sld [smem:$0x3FFD];
	_ =	sdelay $0x3  }
0x95: {  	_ =	strace s3  }
0x96: {  	_ =	strace $0x8FFFFFFF  }
0x97: {  	s18 =	sld [smem:$0x3FDB];
	_ =	sdelay $0x1  }
0x98: {  	s4 =	simm.s32 $_scs_section_size  }
0x99: {  	s5 =	simm.s32 $_size__tile_overlayer_lowered;
	s6 =	simm.s32 $_tile_overlayer_lowered  }
0x9a: {  	s21 =	simm.s32 $0x1BFF;
	s20 =	sshll.u32 s6, $0x1;
	s3 =	sadd.s32 s4, s18  }
0x9b: {  	s7 =	simm.s32 $0x0;
	s19 =	sshll.u32 s5, $0x1;
	s5 =	sadd.s32 s20, s3  }
0x9c: {  	[timem:s7], [sflag:s21] =	dma.local [hbm:s5], s19  }
0x9d: {  	_ =	swait.ge [sflag:s21], s19  }
0x9e: {  	s4 =	ssub.s32 $0x0, s19;
	[sflag:s21] =	ssyncset.done $0x0  }
0x9f: {  	[sflag:s21] =	ssyncadd.s32 s4;
	_ =	sdelay $0x1  }
0xa0: {  	s22 =	simm.s32 $0x1B8B  }
0xa1: {  	_ =	swait.ge [sflag:s22], $0x1  }
0xa2: {  	[sflag:s22] =	ssyncset.done $0x0  }
0xa3: {  	s23 =	simm.s32 $0x1B8E;
	[sflag:s22] =	ssyncadd.s32 $0xFFFFFFFF  }
0xa4: {  	s24 =	simm.s32 $execute0_lowered;
	[smem:$0x3FD2] =	sst s23  }
0xa5: {  	s4 =	sshll.u32 s24, $0x1;
	_ =	strace $0x80000046;
	[dreg:$0x1] =	wrdreg $0xFFFFFFFF  }
0xa6: {  	s25 =	simm.s32 $_size_execute0_lowered;
	s3 =	sadd.s32 s3, s4;
	[dreg:$0x0] =	wrdreg $0x0  }
0xa7: {  	s4 =	sshll.u32 s25, $0x1;
	[dreg:$0x2] =	wrdreg s3  }
0xa8: {  	[dreg:$0x3] =	wrdreg s4  }
0xa9: {  	[dreg:$0x4] =	wrdreg $0xC0  }
0xaa: {  	_ =	task [dreg:s7], $0x5FFFF  }
0xab: {  	[dreg:$0x1] =	wrdreg $0xFFFFFFFF  }
0xac: {  	[dreg:$0x0] =	wrdreg $0x60  }
0xad: {  	[dreg:$0x2] =	wrdreg s0  }
0xae: {  	[dreg:$0x3] =	wrdreg s17  }
0xaf: {  	[dreg:$0x4] =	wrdreg s2  }
0xb0: {  	[dreg:$0x5] =	wrdreg $0x9  }
0xb1: {  	_ =	task.clear_ibuf [dreg:s7], $0x6FFFF;
	_ =	strace $0x90000046  }
0xb2: {  	s26 =	simm.s32 $0x9;
	_ =	strace $0x80000048  }
0xb3: {  	_ =	swait.ge [sflag:s26], $0x1  }
0xb4: {  	[sflag:s26] =	ssyncadd.s32 $0xFFFFFFFF  }
0xb5: {  	_ =	strace $0x90000048  }
0xb6: {  	_ =	sfence  }
0xb7: {  	s28 =	sld [smem:$0x0];
	_ =	sdelay $0x1  }
0xb8: {  	s29 =	srdreg.scid  }
0xb9: {  	s30 =	sshll.u32 s29, $0xD;
	s31 =	sshrl.u32 s29, $0x2  }
0xba: {  	s1 =	sand.u32 $0x1, s29;
	s2 =	sand.u32 $0x4000, s30;
	s0 =	sadd.s32 s31, s28  }
0xbb: {  	s1 =	sor.u32 s2, s1;
	s0 =	sshll.u32 s0, $0x11  }
0xbc: {  	s0 =	sor.u32 s0, s1  }
0xbd: {  	s0 =	sadd.s32 $0x8F2B, s0  }
0xbe: {  	[sflag:s0] =	ssyncadd.remote.s32 $0x1  }
0xbf: {  	_ =	sfence.sel $0xFFFF  }
0xc0: {  	[dreg:$0x0] =	wrdreg $0xFFFFFFFF;
	(pc) =	sbr.abs _section_cstart, $3  }
0xc1: {  	[dreg:$0x1] =	wrdreg $0xFFFFFFFF  }
0xc2: {  	_ =	task.clear_ibuf [dreg:s7], $0x2FFFF;
	_ =	strace $0x9FFFFFFF  }
0xc3: {  	(tm) =	ssettm $0x7FFFFFFF  }
tec
execute0_lowered:
.L_overlay_start_1:
0x0: {  	(tag) =	ssettag $0x1  }
0x1: {  	s2 =	rddreg [dreg:$0x0]  }
0x2: {  	s3 =	rddreg [dreg:$0x1]  }
0x3: {  	s1 =	rddreg [dreg:$0x2];
	s4 =	simm.s32 $0x0;
	s5 =	stileid.u32  }
0x4: {  	[smem:$0x7FF] =	sst s4;
	p0 =	sne.s32 s5, $0x0  }
0x5: {  	s0 =	rddreg [dreg:$0x3];
	_ =	strace $0x80000047;
	s4 =	simm.s32 @!p0 $0x0  }
0x6: {  	[tilespmem:s4], [sflag:$0x1] =	stream.linear.gather @!p0 [hbm4b:s3+s4], $0x1, $0x38;
	[tilespmem:$0x2100] =	vst v63  }
0x7: {  	s3 =	simm.s32 @!p0 $0x1  }
0x8: {  	_ =	swait.ge @!p0 [sflag:s3], $0x1  }
0x9: {  	[sflag:s3] =	ssyncset.done @!p0 $0x0  }
0xa: {  	[sflag:s3] =	ssyncadd.s32 @!p0 $0xFFFFFFFF  }
0xb: {  	v0 =	vld @!p0 [tilespmem:$0x0];
	_ =	sdelay $0x3  }
0xc: {  	vm0 =	vmmov @!p0 $0x1  }
0xd: {  	v0 =	vnsel @!p0 vm0, $0x0, v0  }
0xe: {  	v0 =	vxor.u32 @!p0 $0x80000000, v0  }
0xf: {  	(xrf0) =	vmax.scan.msk.u32 @!p0 $0xffff, v0;
	_ =	sdelay $0x5  }
0x10: {  	v0, _, _ =	vpop @!p0 (xrf0)  }
0x11: {  	(v2sf) =	vpush @!p0 v0, $0xF;
	_ =	sdelay $0xe  }
0x12: {  	s5 =	spop @!p0 (v2sf)  }
0x13: {  	s6 =	sxor.u32 @!p0 $0x80000000, s5  }
0x14: {  	s7 =	sshra.s32 @!p0 s6, $0x1F  }
0x15: {  	s7 =	sshrl.u32 @!p0 s7, $0x19  }
0x16: {  	s7 =	sadd.s32 @!p0 s7, s6  }
0x17: {  	p1 =	sgt.s32 @!p0 s5, $0xFFFFFFFF;
	p2 =	slt.s32 @!p0 s6, $0x1;
	s8 =	sand.u32 @!p0 $0xFFFFFF80, s7  }
0x18: {  	p1 =	por @!p0 p1, p2;
	p2 =	sne.s32 @!p0 s6, s8  }
0x19: {  	p1 =	por @!p0 !p1, !p2  }
0x1a: {  	p1 =	por @!p0 !p1, !p1  }
0x1b: {  	s6 =	simm.s32 @!p0 $0x1;
	p1 =	por !p1, p0  }
0x1c: {  	s7 =	sshrl.u32 @!p0 s7, $0x7;
	s6 =	simm.s32 @p1 $0x0  }
0x1d: {  	v0 =	vlaneseq.u32 @!p0;
	s6 =	ssub.s32 @!p0 s7, s6  }
0x1e: {  	v0 =	vmul.u32 @!p0 $0x80, v0;
	s6 =	sshll.u32 @!p0 s6, $0x7  }
0x1f: {  	s5 =	sand.u32 @!p0 $0x7F, s5;
	s8 =	simm.s32 @!p0 $0x80;
	s6 =	sand.u32 @!p0 $0x1FFFFF80, s6  }
0x20: {  	v1 =	vor.u32 @!p0 s5, v0;
	s7 =	simm.s32 @!p0 $0x7A1400;
	s2 =	sadd.s32 @!p0 s2, s6;
	s6 =	simm.s32 @!p0 $0x400  }
0x21: {  	[tilespmem:s8], [sflag:$0x1] =	stream.strided.gather @!p0 [hbm4b:s2+s6], $0x2000, s7, s6, $0x38;
	[tilespmem:$0x2100] =	vst v63  }
0x22: {  	_ =	swait.ge @!p0 [sflag:s3], $0x2000  }
0x23: {  	[sflag:s3] =	ssyncset.done @!p0 $0x0  }
0x24: {  	[sflag:s3] =	ssyncadd.s32 @!p0 $0xFFFFE000  }
0x25: {  	v2 =	vor.u32 @!p0 $0x800, v0;
	v1 =	vld.idx.msk @!p0 [tilespmem:v1+s8+$0x0], $0xffff  }
0x26: {  	v2 =	vor.u32 @!p0 s5, v2;
	_ =	sdelay $0x3  }
0x27: {  	[tilespmem:$0x2080] =	vst @!p0 v1  }
0x28: {  	v1 =	vld.idx.msk @!p0 [tilespmem:v2+s8+$0x0], $0xffff;
	v2 =	vor.u32 @!p0 $0x1000, v0  }
0x29: {  	v2 =	vor.u32 @!p0 s5, v2;
	_ =	sdelay $0x3  }
0x2a: {  	[tilespmem:$0x2090] =	vst @!p0 v1  }
0x2b: {  	v0 =	vor.u32 @!p0 $0x1800, v0;
	v1 =	vld.idx.msk @!p0 [tilespmem:v2+s8+$0x0], $0xffff  }
0x2c: {  	v0 =	vor.u32 @!p0 s5, v0;
	_ =	sdelay $0x3  }
0x2d: {  	[tilespmem:$0x20A0] =	vst @!p0 v1  }
0x2e: {  	v0 =	vld.idx.msk @!p0 [tilespmem:v0+s8+$0x0], $0xffff;
	_ =	sdelay $0x4  }
0x2f: {  	s2 =	simm.s32 @!p0 $0x2080;
	[tilespmem:$0x20B0] =	vst @!p0 v0  }
0x30: {  	[hbm4b:s1+s4] =	stream.linear.scatter @!p0 [tilespmem:s2], [sflag:$0x1], $0x80, $0x38;
	[tilespmem:$0x2100] =	vst v63  }
0x31: {  	_ =	swait.ge @!p0 [sflag:s3], $0x80  }
0x32: {  	[sflag:s3] =	ssyncset.done @!p0 $0x0  }
0x33: {  	[sflag:s3] =	ssyncadd.s32 @!p0 $0xFFFFFF80  }
0x34: {  	_ =	sfence.sel $0x180000  }
0x35: {  	[bflag:$0x0] =	sbarrier.arrive $0xFFFF  }
0x36: {  	_ =	strace $0x90000047  }
0x37: {  	s0 =	sadd.s32 @!p0 $0x100000, s0;
	[bflag:$0x2] =	sbarrier.arrive $0xFFFF  }
0x38: {  	[sflag:s0] =	ssyncadd.tile.s32 @!p0 $0x1;
	_ =	shalt  }
.Lfunc_end2:
_tile_overlayer_lowered:
.L_overlay_start_2:
0x39: {  	(tag) =	ssettag $0x2  }
0x3a: {  	s0 =	rddreg [dreg:$0x0];
	s2 =	stileid.u32  }
0x3b: {  	s1 =	rddreg [dreg:$0x1];
	p0 =	sne.s32 s2, $0x0  }
0x3c: {  	s3 =	rddreg [dreg:$0x2];
	[bflag:$0x3] =	sbarrier.arrive $0xFFFF;
	s2 =	simm.s32 @!p0 $0x1C01  }
0x3d: {  	[timem:s3], [sflag:s2] =	dma.local @!p0 [hbm:s0], s1  }
0x3e: {  	s0 =	simm.s32 @!p0 $0x1  }
0x3f: {  	_ =	swait.ge @!p0 [sflag:s0], s1  }
0x40: {  	s1 =	ssub.s32 @!p0 $0x0, s1;
	[sflag:s0] =	ssyncset.done @!p0 $0x0  }
0x41: {  	[sflag:s0] =	ssyncadd.s32 @!p0 s1  }
0x42: {  	[bflag:$0x3] =	sbarrier.arrive $0xFFFF  }
0x43: {  	_ =	shalt  }

</sc_bundles>
